<compile_context>
chip_gen: v7x
topology: tpu7x:2x2x1
jax: 0.10.2.dev20260603
libtpu: 0.0.44.dev20260713+nightly
codegen_flags: <defaults>
</compile_context>

<pallas_src>
import jax
import jax.numpy as jnp
from jax import lax
from jax.experimental import pallas as pl
from jax.experimental.pallas import tpu as pltpu
from jax.experimental.pallas import tpu_sc as plsc

_N = 646
_E = 20672
_NCOL = 648
_NP = 648
_NROW = 672

_NTILE = 16
_ROWS_T = _NROW // _NTILE
_Z = _ROWS_T * _NCOL
_ZPAD = 27264
_EPAD = 20736


def _sc_scatter_body(flat_hbm, out_hbm, flat_v, bacc_v, sem):
    s = lax.axis_index("s")
    w = lax.axis_index("c") * 16 + s
    load = pltpu.async_copy(flat_hbm, flat_v.at[pl.ds(0, _E)], sem)

    zeros16 = jnp.zeros((16,), jnp.float32)

    @plsc.parallel_loop(0, _ZPAD // 16, unroll=8)
    def _zero_body(i):
        bacc_v[pl.ds(i * 16, 16)] = zeros16

    load.wait()
    poison16 = jnp.full((16,), jnp.int32(2**31 - 1))
    for t in range(_E // 16, _EPAD // 16):
        flat_v[pl.ds(t * 16, 16)] = poison16

    ones16 = jnp.ones((16,), jnp.float32)
    base = jnp.int32(w * _Z)
    zbound = jnp.uint32(_Z)

    @plsc.parallel_loop(0, _EPAD // 16, unroll=8)
    def _scatter_body(t):
        loc = flat_v[pl.ds(t * 16, 16)] - base
        valid = plsc.bitcast(loc, jnp.uint32) < zbound
        plsc.addupdate_scatter(bacc_v, [loc], ones16, mask=valid)

    pltpu.sync_copy(bacc_v.at[pl.ds(0, _Z)], out_hbm.at[pl.ds(w * _Z, _Z)])


def _make_sc_scatter():
    return pl.kernel(
        _sc_scatter_body,
        out_type=jax.ShapeDtypeStruct((_NROW * _NCOL,), jnp.float32),
        mesh=plsc.VectorSubcoreMesh(core_axis_name="c", subcore_axis_name="s",
                                    num_cores=1),
        compiler_params=pltpu.CompilerParams(needs_layout_passes=False),
        scratch_types=[
            pltpu.VMEM((_EPAD,), jnp.int32),
            pltpu.VMEM((_ZPAD,), jnp.float32),
            pltpu.SemaphoreType.DMA,
        ],
    )


def _tc_pre_body(x_ref, w1_ref, wlp_ref, blp_ref, h1_ref, res_ref):
    x = x_ref[...]
    pad2 = jnp.zeros((_NP - _N, 64), jnp.float32)
    h1 = jnp.dot(x, w1_ref[...], preferred_element_type=jnp.float32)
    h1_ref[...] = jnp.concatenate([h1, pad2])
    res = jnp.dot(x, wlp_ref[...], preferred_element_type=jnp.float32)
    res_ref[...] = jnp.concatenate([res + blp_ref[...], pad2])


def _tc_main_body(p_ref, h1_ref, res_ref, b1_ref, w2_ref, b2_ref, out_ref):
    bmat = p_ref[pl.ds(0, _NP), :]
    rows = lax.broadcasted_iota(jnp.int32, (_NP, _NCOL), 0)
    cols = lax.broadcasted_iota(jnp.int32, (_NP, _NCOL), 1)
    eye = jnp.where((rows == cols) & (rows < _N), 1.0, 0.0)
    bmat = bmat + eye
    deg = jnp.sum(bmat, axis=1, keepdims=True)
    dinv = lax.rsqrt(jnp.maximum(deg, 1e-12))

    agg1 = dinv * jnp.dot(bmat, dinv * h1_ref[...],
                          preferred_element_type=jnp.float32) + b1_ref[...]
    h = res_ref[...] + agg1
    h = h * (1.0 / (1.0 + jnp.exp(-h)))

    rmask = lax.broadcasted_iota(jnp.int32, (_NP, 64), 0) < _N
    cnt = float(_N * 64)
    mu = jnp.sum(jnp.where(rmask, h, 0.0)) / cnt
    dev = jnp.where(rmask, h - mu, 0.0)
    var = jnp.sum(dev * dev) / cnt
    hn = (h - mu) * lax.rsqrt(var + 1e-5)

    h2 = jnp.dot(hn, w2_ref[...], preferred_element_type=jnp.float32)
    agg2 = dinv * jnp.dot(bmat, dinv * h2,
                          preferred_element_type=jnp.float32) + b2_ref[...]
    out_ref[...] = agg2[:_N]


def kernel(x, edge_index, W1, b1, W2, b2, Wlp, blp):
    ei = edge_index.astype(jnp.int32)
    flat = ei[1] * _NCOL + ei[0]

    h1p, resp = pl.pallas_call(
        _tc_pre_body,
        out_shape=(jax.ShapeDtypeStruct((_NP, 64), jnp.float32),
                   jax.ShapeDtypeStruct((_NP, 64), jnp.float32)),
    )(x, W1, Wlp, blp.reshape(1, -1))

    p = _make_sc_scatter()(flat).reshape(_NROW, _NCOL)

    return pl.pallas_call(
        _tc_main_body,
        out_shape=jax.ShapeDtypeStruct((_N, 64), jnp.float32),
    )(p, h1p, resp, b1.reshape(1, -1), W2, b2.reshape(1, -1))

# --- scband reference (transcript-rebuilt; emitter-appended) ---
"""Pipeline reference for scband-res-gcn-53197464928873 (READ-ONLY COPY).

The authoritative reference and input builder live on the scoring server;
editing this copy changes nothing except your own understanding.
"""

import jax, jax.numpy as jnp
import numpy as np

N = 646
E = 20672
D_IN = 512
D_HID = 64
D_OUT = 64


def gcn_conv(x, edge_index, W, b):
    src = jnp.concatenate([edge_index[0], jnp.arange(N, dtype=edge_index.dtype)])
    dst = jnp.concatenate([edge_index[1], jnp.arange(N, dtype=edge_index.dtype)])
    deg = jnp.zeros((N,), x.dtype).at[dst].add(1.0)
    dinv = jax.lax.rsqrt(jnp.maximum(deg, 1e-12))
    norm = dinv[src] * dinv[dst]
    h = x @ W
    msg = h[src] * norm[:, None]
    out = jnp.zeros((N, W.shape[1]), x.dtype).at[dst].add(msg)
    return out + b


def setup_inputs(seed: int = 0) -> dict:
    key = jax.random.key(seed)
    ks = jax.random.split(key, 9)
    x = jax.random.normal(ks[0], (N, D_IN), dtype=jnp.float32)
    edge_index = jax.random.randint(ks[1], (2, E), 0, N, dtype=jnp.int64)
    W1 = jax.random.normal(ks[2], (D_IN, D_HID), dtype=jnp.float32) * (1.0 / np.sqrt(D_IN))
    b1 = jnp.zeros((D_HID,), dtype=jnp.float32)
    W2 = jax.random.normal(ks[3], (D_HID, D_OUT), dtype=jnp.float32) * (1.0 / np.sqrt(D_HID))
    b2 = jnp.zeros((D_OUT,), dtype=jnp.float32)
    Wlp = jax.random.normal(ks[4], (D_IN, D_HID), dtype=jnp.float32) * (1.0 / np.sqrt(D_IN))
    blp = jax.random.normal(ks[5], (D_HID,), dtype=jnp.float32) * 0.01
    return {"x": x, "edge_index": edge_index, "W1": W1, "b1": b1, "W2": W2, "b2": b2, "Wlp": Wlp, "blp": blp}


def reference(x, edge_index, W1, b1, W2, b2, Wlp, blp):
    res_x = x @ Wlp + blp
    h = gcn_conv(x, edge_index, W1, b1)
    h = res_x + h
    h = jax.nn.silu(h)
    # LayerNorm over normalized_shape [646, 64], elementwise_affine=False:
    # normalize jointly over both node and feature dims
    mu = jnp.mean(h)
    var = jnp.mean((h - mu) ** 2)
    h = (h - mu) / jnp.sqrt(var + 1e-5)
    out = gcn_conv(h, edge_index, W2, b2)
    return out

if __name__ == "__main__":
    import jax
    _d = setup_inputs()
    print(jax.jit(kernel)(*tuple(_d.values())))

</pallas_src>

<mosaic_0001>
#map = affine_map<(d0, d1) -> (0)>
module attributes {stable_mosaic.version = 14 : i64} {
  func.func @_sc_scatter_body(%arg0: i32, %arg1: i32, %arg2: memref<20672xi32, #tpu.memory_space<hbm>>, %arg3: memref<435456xf32, #tpu.memory_space<hbm>>, %arg4: memref<20736xi32, #tpu.memory_space<vmem>>, %arg5: memref<27264xf32, #tpu.memory_space<vmem>>, %arg6: memref<!tpu.dma_semaphore, #tpu.memory_space<semaphore_mem>>) attributes {dimension_semantics = [#tpu.dimension_semantics<core_parallel>, #tpu.dimension_semantics<subcore_parallel>], iteration_bounds = array<i64: 1, 16>, scalar_prefetch = 0 : i64, scratch_operands = 3 : i64, tpu.core_type = #tpu.core_type<sc_vector_subcore>, window_params = [{transform_indices = #map}, {transform_indices = #map}]} {
    %mul3A = arith.constant 16 : i32
    %mul3A_0 = arith.muli %arg0, %mul3A : i32
    %add3A = arith.addi %mul3A_0, %arg1 : i32
    %dma_start3A = arith.constant 0 : i32
    %dma_start3A_1 = tpu.memref_slice %arg4[%dma_start3A] : memref<20736xi32, #tpu.memory_space<vmem>> -> memref<20672xi32, #tpu.memory_space<vmem>>
    %dma_start3A_2 = arith.constant 0 : i32
    %dma_start3A_3 = tpu.memref_slice %arg4[%dma_start3A_2] : memref<20736xi32, #tpu.memory_space<vmem>> -> memref<20672xi32, #tpu.memory_space<vmem>>
    tpu.enqueue_dma source(%arg2 : memref<20672xi32, #tpu.memory_space<hbm>>) target(%dma_start3A_3 : memref<20672xi32, #tpu.memory_space<vmem>>) target_semaphore(%arg6 : memref<!tpu.dma_semaphore, #tpu.memory_space<semaphore_mem>>)
    %broadcast_in_dim3A = arith.constant 0.000000e+00 : f32
    %broadcast_in_dim3A_4 = vector.broadcast %broadcast_in_dim3A : f32 to vector<16xf32>
    %parallel_loop3A = arith.constant 0 : i32
    %parallel_loop3A_5 = arith.constant 1704 : i32
    %parallel_loop3A_6 = arith.constant 1 : i32
    scf.for %parallel_loop3A_29 = %parallel_loop3A to %parallel_loop3A_5 step %parallel_loop3A_6  : i32 {
      %parallel_loop3A_30 = arith.constant 16 : i32
      %parallel_loop3A_31 = arith.muli %parallel_loop3A_29, %parallel_loop3A_30 : i32
      %parallel_loop3A_32 = arith.index_cast %parallel_loop3A_31 : i32 to index
      %parallel_loop3A_33 = tpu.vector_load %arg5[%parallel_loop3A_32] {strides = array<i32>} : memref<27264xf32, #tpu.memory_space<vmem>>, vector<16xf32>,
      tpu.vector_store %arg5[%parallel_loop3A_32], %broadcast_in_dim3A_4 {strides = array<i32>} : memref<27264xf32, #tpu.memory_space<vmem>>, vector<16xf32>,
    } {sc.loop_unroll_factor = 8 : i64, sc.parallel_access}
    %dma_wait3A = arith.constant 0 : i32
    %dma_wait3A_7 = tpu.memref_slice %arg4[%dma_wait3A] : memref<20736xi32, #tpu.memory_space<vmem>> -> memref<20672xi32, #tpu.memory_space<vmem>>
    %dma_wait3A_8 = arith.constant 0 : i32
    %dma_wait3A_9 = tpu.memref_slice %arg4[%dma_wait3A_8] : memref<20736xi32, #tpu.memory_space<vmem>> -> memref<20672xi32, #tpu.memory_space<vmem>>
    tpu.wait_dma2 semaphore(%arg6 : memref<!tpu.dma_semaphore, #tpu.memory_space<semaphore_mem>>) src(%arg2 : memref<20672xi32, #tpu.memory_space<hbm>>) dst(%dma_wait3A_9 : memref<20672xi32, #tpu.memory_space<vmem>>)
    %broadcast_in_dim3A_10 = arith.constant 2147483647 : i32
    %broadcast_in_dim3A_11 = vector.broadcast %broadcast_in_dim3A_10 : i32 to vector<16xi32>
    %swap3A = arith.constant 20672 : index
    %swap3A_12 = tpu.vector_load %arg4[%swap3A] {strides = array<i32>} : memref<20736xi32, #tpu.memory_space<vmem>>, vector<16xi32>,
    tpu.vector_store %arg4[%swap3A], %broadcast_in_dim3A_11 {strides = array<i32>} : memref<20736xi32, #tpu.memory_space<vmem>>, vector<16xi32>,
    %swap3A_13 = arith.constant 20688 : index
    %swap3A_14 = tpu.vector_load %arg4[%swap3A_13] {strides = array<i32>} : memref<20736xi32, #tpu.memory_space<vmem>>, vector<16xi32>,
    tpu.vector_store %arg4[%swap3A_13], %broadcast_in_dim3A_11 {strides = array<i32>} : memref<20736xi32, #tpu.memory_space<vmem>>, vector<16xi32>,
    %swap3A_15 = arith.constant 20704 : index
    %swap3A_16 = tpu.vector_load %arg4[%swap3A_15] {strides = array<i32>} : memref<20736xi32, #tpu.memory_space<vmem>>, vector<16xi32>,
    tpu.vector_store %arg4[%swap3A_15], %broadcast_in_dim3A_11 {strides = array<i32>} : memref<20736xi32, #tpu.memory_space<vmem>>, vector<16xi32>,
    %swap3A_17 = arith.constant 20720 : index
    %swap3A_18 = tpu.vector_load %arg4[%swap3A_17] {strides = array<i32>} : memref<20736xi32, #tpu.memory_space<vmem>>, vector<16xi32>,
    tpu.vector_store %arg4[%swap3A_17], %broadcast_in_dim3A_11 {strides = array<i32>} : memref<20736xi32, #tpu.memory_space<vmem>>, vector<16xi32>,
    %broadcast_in_dim3A_19 = arith.constant 1.000000e+00 : f32
    %broadcast_in_dim3A_20 = vector.broadcast %broadcast_in_dim3A_19 : f32 to vector<16xf32>
    %mul3A_21 = arith.constant 27216 : i32
    %mul3A_22 = arith.muli %add3A, %mul3A_21 : i32
    %parallel_loop3A_23 = arith.constant 0 : i32
    %parallel_loop3A_24 = arith.constant 1296 : i32
    %parallel_loop3A_25 = arith.constant 1 : i32
    %parallel_loop3A_26 = arith.constant 27216 : i32
    scf.for %parallel_loop3A_29 = %parallel_loop3A_23 to %parallel_loop3A_24 step %parallel_loop3A_25  : i32 {
      %parallel_loop3A_30 = arith.constant 16 : i32
      %parallel_loop3A_31 = arith.muli %parallel_loop3A_29, %parallel_loop3A_30 : i32
      %parallel_loop3A_32 = arith.index_cast %parallel_loop3A_31 : i32 to index
      %parallel_loop3A_33 = tpu.vector_load %arg4[%parallel_loop3A_32] {strides = array<i32>} : memref<20736xi32, #tpu.memory_space<vmem>>, vector<16xi32>,
      %parallel_loop3A_34 = vector.broadcast %mul3A_22 : i32 to vector<16xi32>
      %parallel_loop3A_35 = arith.subi %parallel_loop3A_33, %parallel_loop3A_34 : vector<16xi32>
      %parallel_loop3A_36 = vector.bitcast %parallel_loop3A_35 : vector<16xi32> to vector<16xi32>
      %parallel_loop3A_37 = vector.broadcast %parallel_loop3A_26 : i32 to vector<16xi32>
      %parallel_loop3A_38 = arith.cmpi ult, %parallel_loop3A_36, %parallel_loop3A_37 : vector<16xi32>
      tpu.vector_store_idx %arg5[%parallel_loop3A_35], %broadcast_in_dim3A_20 masked %parallel_loop3A_38 {add = true} : memref<27264xf32, #tpu.memory_space<vmem>>[vector<16xi32>], vector<16xf32>, vector<16xi1>
    } {sc.loop_unroll_factor = 8 : i64, sc.parallel_access}
    %mul3A_27 = arith.constant 27216 : i32
    %mul3A_28 = arith.muli %add3A, %mul3A_27 : i32
    "tpu.region"() ({
      %run_scoped3A = tpu.sem_alloc : memref<!tpu.dma_semaphore, #tpu.memory_space<semaphore_mem>>
      %dma_start3A_29 = arith.constant 0 : i32
      %dma_start3A_30 = tpu.memref_slice %arg5[%dma_start3A_29] : memref<27264xf32, #tpu.memory_space<vmem>> -> memref<27216xf32, #tpu.memory_space<vmem>>
      %dma_start3A_31 = tpu.memref_slice %arg3[%mul3A_28] : memref<435456xf32, #tpu.memory_space<hbm>> -> memref<27216xf32, #tpu.memory_space<hbm>>
      %dma_start3A_32 = tpu.memref_slice %arg3[%mul3A_28] : memref<435456xf32, #tpu.memory_space<hbm>> -> memref<27216xf32, #tpu.memory_space<hbm>>
      %dma_start3A_33 = arith.constant 0 : i32
      %dma_start3A_34 = tpu.memref_slice %arg5[%dma_start3A_33] : memref<27264xf32, #tpu.memory_space<vmem>> -> memref<27216xf32, #tpu.memory_space<vmem>>
      tpu.enqueue_dma source(%dma_start3A_34 : memref<27216xf32, #tpu.memory_space<vmem>>) target(%dma_start3A_32 : memref<27216xf32, #tpu.memory_space<hbm>>) target_semaphore(%run_scoped3A : memref<!tpu.dma_semaphore, #tpu.memory_space<semaphore_mem>>)
      %dma_wait3A_35 = arith.constant 0 : i32
      %dma_wait3A_36 = tpu.memref_slice %arg5[%dma_wait3A_35] : memref<27264xf32, #tpu.memory_space<vmem>> -> memref<27216xf32, #tpu.memory_space<vmem>>
      %dma_wait3A_37 = tpu.memref_slice %arg3[%mul3A_28] : memref<435456xf32, #tpu.memory_space<hbm>> -> memref<27216xf32, #tpu.memory_space<hbm>>
      %dma_wait3A_38 = tpu.memref_slice %arg3[%mul3A_28] : memref<435456xf32, #tpu.memory_space<hbm>> -> memref<27216xf32, #tpu.memory_space<hbm>>
      %dma_wait3A_39 = arith.constant 0 : i32
      %dma_wait3A_40 = tpu.memref_slice %arg5[%dma_wait3A_39] : memref<27264xf32, #tpu.memory_space<vmem>> -> memref<27216xf32, #tpu.memory_space<vmem>>
      tpu.wait_dma2 semaphore(%run_scoped3A : memref<!tpu.dma_semaphore, #tpu.memory_space<semaphore_mem>>) src(%dma_wait3A_40 : memref<27216xf32, #tpu.memory_space<vmem>>) dst(%dma_wait3A_38 : memref<27216xf32, #tpu.memory_space<hbm>>)
      tpu.yield
    }) : () -> ()
    return
  }
}

module attributes {stable_mosaic.version = 14 : i64} {
  func.func @_tc_main_body(%arg0: memref<672x648xf32, #tpu.memory_space<vmem>>, %arg1: memref<648x64xf32, #tpu.memory_space<vmem>>, %arg2: memref<648x64xf32, #tpu.memory_space<vmem>>, %arg3: memref<1x64xf32, #tpu.memory_space<vmem>>, %arg4: memref<64x64xf32, #tpu.memory_space<vmem>>, %arg5: memref<1x64xf32, #tpu.memory_space<vmem>>, %arg6: memref<646x64xf32, #tpu.memory_space<vmem>>) attributes {dimension_semantics = [], scalar_prefetch = 0 : i64, scratch_operands = 0 : i64, tpu.core_type = #tpu.core_type<tc>} {
    %get3A = arith.constant 0 : index
    %get3A_0 = arith.constant 0 : index
    %get3A_1 = vector.load %arg0[%get3A, %get3A_0] : memref<672x648xf32, #tpu.memory_space<vmem>>, vector<648x648xf32>
    %iota3A = tpu.iota {dimensions = array<i32: 0>} : vector<648x648xi32>
    %iota3A_2 = tpu.iota {dimensions = array<i32: 1>} : vector<648x648xi32>
    %eq3A = arith.cmpi eq, %iota3A, %iota3A_2 : vector<648x648xi32>
    %lt3A = arith.constant 646 : i32
    %lt3A_3 = vector.broadcast %lt3A : i32 to vector<648x648xi32>
    %lt3A_4 = arith.cmpi slt, %iota3A, %lt3A_3 : vector<648x648xi32>
    %and3A = arith.andi %eq3A, %lt3A_4 : vector<648x648xi1>
    %jit3A = arith.constant 1.000000e+00 : f32
    %jit3A_5 = arith.constant 0.000000e+00 : f32
    %broadcast_in_dim3A = vector.broadcast %jit3A : f32 to vector<648x648xf32>
    %broadcast_in_dim3A_6 = vector.broadcast %jit3A_5 : f32 to vector<648x648xf32>
    %select_n3A = arith.select %and3A, %broadcast_in_dim3A, %broadcast_in_dim3A_6 : vector<648x648xi1>, vector<648x648xf32>
    %add3A = arith.addf %get3A_1, %select_n3A : vector<648x648xf32>
    %reduce_sum3A = arith.constant dense<0.000000e+00> : vector<648xf32>
    %reduce_sum3A_7 = vector.multi_reduction <add>, %add3A, %reduce_sum3A [1] : vector<648x648xf32> to vector<648xf32>
    %broadcast_in_dim3A_8 = vector.shape_cast %reduce_sum3A_7 : vector<648xf32> to vector<648x1xf32>
    %max3A = arith.constant 9.99999996E-13 : f32
    %max3A_9 = vector.broadcast %max3A : f32 to vector<648x1xf32>
    %max3A_10 = arith.maximumf %broadcast_in_dim3A_8, %max3A_9 : vector<648x1xf32>
    %rsqrt3A = math.rsqrt %max3A_10 : vector<648x1xf32>
    %get3A_11 = arith.constant 0 : index
    %get3A_12 = arith.constant 0 : index
    %get3A_13 = vector.load %arg1[%get3A_11, %get3A_12] : memref<648x64xf32, #tpu.memory_space<vmem>>, vector<648x64xf32>
    %mul3A = vector.broadcast %rsqrt3A : vector<648x1xf32> to vector<648x64xf32>
    %mul3A_14 = arith.mulf %mul3A, %get3A_13 : vector<648x64xf32>
    %dot_general3A = arith.constant dense<0.000000e+00> : vector<648x64xf32>
    %dot_general3A_15 = tpu.matmul %add3A, %mul3A_14, %dot_general3A {dimension_numbers = #tpu.dot_dimension_numbers<[1], [0], [0], [1], [0, 0, 1, 1], [], []>, transpose_lhs_hint = false} : vector<648x648xf32>, vector<648x64xf32>, vector<648x64xf32> -> vector<648x64xf32>
    %mul3A_16 = vector.broadcast %rsqrt3A : vector<648x1xf32> to vector<648x64xf32>
    %mul3A_17 = arith.mulf %mul3A_16, %dot_general3A_15 : vector<648x64xf32>
    %get3A_18 = arith.constant 0 : index
    %get3A_19 = arith.constant 0 : index
    %get3A_20 = vector.load %arg3[%get3A_18, %get3A_19] : memref<1x64xf32, #tpu.memory_space<vmem>>, vector<1x64xf32>
    %add3A_21 = vector.broadcast %get3A_20 : vector<1x64xf32> to vector<648x64xf32>
    %add3A_22 = arith.addf %mul3A_17, %add3A_21 : vector<648x64xf32>
    %get3A_23 = arith.constant 0 : index
    %get3A_24 = arith.constant 0 : index
    %get3A_25 = vector.load %arg2[%get3A_23, %get3A_24] : memref<648x64xf32, #tpu.memory_space<vmem>>, vector<648x64xf32>
    %add3A_26 = arith.addf %get3A_25, %add3A_22 : vector<648x64xf32>
    %neg3A = arith.constant 0.000000e+00 : f32
    %neg3A_27 = vector.broadcast %neg3A : f32 to vector<648x64xf32>
    %neg3A_28 = arith.subf %neg3A_27, %add3A_26 : vector<648x64xf32>
    %exp3A = math.exp %neg3A_28 : vector<648x64xf32>
    %add3A_29 = arith.constant 1.000000e+00 : f32
    %add3A_30 = vector.broadcast %add3A_29 : f32 to vector<648x64xf32>
    %add3A_31 = arith.addf %add3A_30, %exp3A : vector<648x64xf32>
    %div3A = arith.constant 1.000000e+00 : f32
    %div3A_32 = vector.broadcast %div3A : f32 to vector<648x64xf32>
    %div3A_33 = arith.divf %div3A_32, %add3A_31 : vector<648x64xf32>
    %mul3A_34 = arith.mulf %add3A_26, %div3A_33 : vector<648x64xf32>
    %iota3A_35 = tpu.iota {dimensions = array<i32: 0>} : vector<648x64xi32>
    %lt3A_36 = arith.constant 646 : i32
    %lt3A_37 = vector.broadcast %lt3A_36 : i32 to vector<648x64xi32>
    %lt3A_38 = arith.cmpi slt, %iota3A_35, %lt3A_37 : vector<648x64xi32>
    %jit3A_39 = arith.constant 0.000000e+00 : f32
    %broadcast_in_dim3A_40 = vector.broadcast %jit3A_39 : f32 to vector<648x64xf32>
    %select_n3A_41 = arith.select %lt3A_38, %mul3A_34, %broadcast_in_dim3A_40 : vector<648x64xi1>, vector<648x64xf32>
    %reduce_sum3A_42 = vector.shape_cast %select_n3A_41 : vector<648x64xf32> to vector<1x648x64xf32>
    %reduce_sum3A_43 = arith.constant dense<0.000000e+00> : vector<1xf32>
    %reduce_sum3A_44 = vector.multi_reduction <add>, %reduce_sum3A_42, %reduce_sum3A_43 [1, 2] : vector<1x648x64xf32> to vector<1xf32>
    %reduce_sum3A_45 = vector.shape_cast %reduce_sum3A_44 : vector<1xf32> to vector<1x1x1xf32>
    %reduce_sum3A_46 = vector.extract %reduce_sum3A_45[0, 0, 0] : f32 from vector<1x1x1xf32>
    %div3A_47 = arith.constant 4.134400e+04 : f32
    %div3A_48 = arith.divf %reduce_sum3A_46, %div3A_47 : f32
    %sub3A = vector.broadcast %div3A_48 : f32 to vector<648x64xf32>
    %sub3A_49 = arith.subf %mul3A_34, %sub3A : vector<648x64xf32>
    %jit3A_50 = arith.constant 0.000000e+00 : f32
    %broadcast_in_dim3A_51 = vector.broadcast %jit3A_50 : f32 to vector<648x64xf32>
    %select_n3A_52 = arith.select %lt3A_38, %sub3A_49, %broadcast_in_dim3A_51 : vector<648x64xi1>, vector<648x64xf32>
    %mul3A_53 = arith.mulf %select_n3A_52, %select_n3A_52 : vector<648x64xf32>
    %reduce_sum3A_54 = vector.shape_cast %mul3A_53 : vector<648x64xf32> to vector<1x648x64xf32>
    %reduce_sum3A_55 = arith.constant dense<0.000000e+00> : vector<1xf32>
    %reduce_sum3A_56 = vector.multi_reduction <add>, %reduce_sum3A_54, %reduce_sum3A_55 [1, 2] : vector<1x648x64xf32> to vector<1xf32>
    %reduce_sum3A_57 = vector.shape_cast %reduce_sum3A_56 : vector<1xf32> to vector<1x1x1xf32>
    %reduce_sum3A_58 = vector.extract %reduce_sum3A_57[0, 0, 0] : f32 from vector<1x1x1xf32>
    %div3A_59 = arith.constant 4.134400e+04 : f32
    %div3A_60 = arith.divf %reduce_sum3A_58, %div3A_59 : f32
    %sub3A_61 = vector.broadcast %div3A_48 : f32 to vector<648x64xf32>
    %sub3A_62 = arith.subf %mul3A_34, %sub3A_61 : vector<648x64xf32>
    %add3A_63 = arith.constant 9.99999974E-6 : f32
    %add3A_64 = arith.addf %div3A_60, %add3A_63 : f32
    %rsqrt3A_65 = math.rsqrt %add3A_64 : f32
    %mul3A_66 = vector.broadcast %rsqrt3A_65 : f32 to vector<648x64xf32>
    %mul3A_67 = arith.mulf %sub3A_62, %mul3A_66 : vector<648x64xf32>
    %get3A_68 = arith.constant 0 : index
    %get3A_69 = arith.constant 0 : index
    %get3A_70 = vector.load %arg4[%get3A_68, %get3A_69] : memref<64x64xf32, #tpu.memory_space<vmem>>, vector<64x64xf32>
    %dot_general3A_71 = arith.constant dense<0.000000e+00> : vector<648x64xf32>
    %dot_general3A_72 = tpu.matmul %mul3A_67, %get3A_70, %dot_general3A_71 {dimension_numbers = #tpu.dot_dimension_numbers<[1], [0], [0], [1], [0, 0, 1, 1], [], []>, transpose_lhs_hint = false} : vector<648x64xf32>, vector<64x64xf32>, vector<648x64xf32> -> vector<648x64xf32>
    %mul3A_73 = vector.broadcast %rsqrt3A : vector<648x1xf32> to vector<648x64xf32>
    %mul3A_74 = arith.mulf %mul3A_73, %dot_general3A_72 : vector<648x64xf32>
    %dot_general3A_75 = arith.constant dense<0.000000e+00> : vector<648x64xf32>
    %dot_general3A_76 = tpu.matmul %add3A, %mul3A_74, %dot_general3A_75 {dimension_numbers = #tpu.dot_dimension_numbers<[1], [0], [0], [1], [0, 0, 1, 1], [], []>, transpose_lhs_hint = false} : vector<648x648xf32>, vector<648x64xf32>, vector<648x64xf32> -> vector<648x64xf32>
    %mul3A_77 = vector.broadcast %rsqrt3A : vector<648x1xf32> to vector<648x64xf32>
    %mul3A_78 = arith.mulf %mul3A_77, %dot_general3A_76 : vector<648x64xf32>
    %get3A_79 = arith.constant 0 : index
    %get3A_80 = arith.constant 0 : index
    %get3A_81 = vector.load %arg5[%get3A_79, %get3A_80] : memref<1x64xf32, #tpu.memory_space<vmem>>, vector<1x64xf32>
    %add3A_82 = vector.broadcast %get3A_81 : vector<1x64xf32> to vector<648x64xf32>
    %add3A_83 = arith.addf %mul3A_78, %add3A_82 : vector<648x64xf32>
    %slice3A = vector.extract_strided_slice %add3A_83 {offsets = [0, 0], sizes = [646, 64], strides = [1, 1]} : vector<648x64xf32> to vector<646x64xf32>
    %swap3A = arith.constant 0 : index
    %swap3A_84 = arith.constant 0 : index
    %swap3A_85 = vector.load %arg6[%swap3A, %swap3A_84] : memref<646x64xf32, #tpu.memory_space<vmem>>, vector<646x64xf32>
    tpu.vector_store %arg6[%swap3A, %swap3A_84], %slice3A {strides = array<i32>} : memref<646x64xf32, #tpu.memory_space<vmem>>, vector<646x64xf32>,
    return
  }
}

module attributes {stable_mosaic.version = 14 : i64} {
  func.func @_tc_pre_body(%arg0: memref<646x512xf32, #tpu.memory_space<vmem>>, %arg1: memref<512x64xf32, #tpu.memory_space<vmem>>, %arg2: memref<512x64xf32, #tpu.memory_space<vmem>>, %arg3: memref<1x64xf32, #tpu.memory_space<vmem>>, %arg4: memref<648x64xf32, #tpu.memory_space<vmem>>, %arg5: memref<648x64xf32, #tpu.memory_space<vmem>>) attributes {dimension_semantics = [], scalar_prefetch = 0 : i64, scratch_operands = 0 : i64, tpu.core_type = #tpu.core_type<tc>} {
    %get3A = arith.constant 0 : index
    %get3A_0 = arith.constant 0 : index
    %get3A_1 = vector.load %arg0[%get3A, %get3A_0] : memref<646x512xf32, #tpu.memory_space<vmem>>, vector<646x512xf32>
    %broadcast_in_dim3A = arith.constant 0.000000e+00 : f32
    %broadcast_in_dim3A_2 = vector.broadcast %broadcast_in_dim3A : f32 to vector<2x64xf32>
    %get3A_3 = arith.constant 0 : index
    %get3A_4 = arith.constant 0 : index
    %get3A_5 = vector.load %arg1[%get3A_3, %get3A_4] : memref<512x64xf32, #tpu.memory_space<vmem>>, vector<512x64xf32>
    %dot_general3A = arith.constant dense<0.000000e+00> : vector<646x64xf32>
    %dot_general3A_6 = tpu.matmul %get3A_1, %get3A_5, %dot_general3A {dimension_numbers = #tpu.dot_dimension_numbers<[1], [0], [0], [1], [0, 0, 1, 1], [], []>, transpose_lhs_hint = false} : vector<646x512xf32>, vector<512x64xf32>, vector<646x64xf32> -> vector<646x64xf32>
    %concatenate3A = tpu.concatenate %dot_general3A_6, %broadcast_in_dim3A_2 in 0 : vector<646x64xf32>, vector<2x64xf32> -> vector<648x64xf32>
    %swap3A = arith.constant 0 : index
    %swap3A_7 = arith.constant 0 : index
    %swap3A_8 = vector.load %arg4[%swap3A, %swap3A_7] : memref<648x64xf32, #tpu.memory_space<vmem>>, vector<648x64xf32>
    tpu.vector_store %arg4[%swap3A, %swap3A_7], %concatenate3A {strides = array<i32>} : memref<648x64xf32, #tpu.memory_space<vmem>>, vector<648x64xf32>,
    %get3A_9 = arith.constant 0 : index
    %get3A_10 = arith.constant 0 : index
    %get3A_11 = vector.load %arg2[%get3A_9, %get3A_10] : memref<512x64xf32, #tpu.memory_space<vmem>>, vector<512x64xf32>
    %dot_general3A_12 = arith.constant dense<0.000000e+00> : vector<646x64xf32>
    %dot_general3A_13 = tpu.matmul %get3A_1, %get3A_11, %dot_general3A_12 {dimension_numbers = #tpu.dot_dimension_numbers<[1], [0], [0], [1], [0, 0, 1, 1], [], []>, transpose_lhs_hint = false} : vector<646x512xf32>, vector<512x64xf32>, vector<646x64xf32> -> vector<646x64xf32>
    %get3A_14 = arith.constant 0 : index
    %get3A_15 = arith.constant 0 : index
    %get3A_16 = vector.load %arg3[%get3A_14, %get3A_15] : memref<1x64xf32, #tpu.memory_space<vmem>>, vector<1x64xf32>
    %add3A = vector.broadcast %get3A_16 : vector<1x64xf32> to vector<646x64xf32>
    %add3A_17 = arith.addf %dot_general3A_13, %add3A : vector<646x64xf32>
    %concatenate3A_18 = tpu.concatenate %add3A_17, %broadcast_in_dim3A_2 in 0 : vector<646x64xf32>, vector<2x64xf32> -> vector<648x64xf32>
    %swap3A_19 = arith.constant 0 : index
    %swap3A_20 = arith.constant 0 : index
    %swap3A_21 = vector.load %arg5[%swap3A_19, %swap3A_20] : memref<648x64xf32, #tpu.memory_space<vmem>>, vector<648x64xf32>
    tpu.vector_store %arg5[%swap3A_19, %swap3A_20], %concatenate3A_18 {strides = array<i32>} : memref<648x64xf32, #tpu.memory_space<vmem>>, vector<648x64xf32>,
    return
  }
}

</mosaic_0001>

<sc_bundles>
// kernel: kernel.5.cloned.1.call-start
scs
__scs_entry_jumppad:
0x0: {  	(pc) =	sbr.rel $0x88, $3  }
0x1: {  	(tag) =	ssettag $0x0;
	lr =	simm.s32 $0x1  }
0x2: {  	[smem:$0x3F99] =	sst lr;
	_ =	strace $0xD0000000  }
0x3: {  	_ = 	snop  }
0x4: {  	_ = 	snop  }
0x5: {  	_ = 	snop  }
0x6: {  	_ = 	snop  }
0x7: {  	_ = 	snop  }
__scs_overlays_trampoline_lowered:
0x8: {  	[smem:$0x3FA8] =	sst s0  }
0x9: {  	[smem:$0x3FA9] =	sst s1  }
0xa: {  	[smem:$0x3FAA] =	sst s2  }
0xb: {  	[smem:$0x3FAB] =	sst s3  }
0xc: {  	[smem:$0x3FAC] =	sst s4  }
0xd: {  	[smem:$0x3FAD] =	sst s5  }
0xe: {  	[smem:$0x3FAE] =	sst s6  }
0xf: {  	[smem:$0x3FAF] =	sst s7  }
0x10: {  	[smem:$0x3FB0] =	sst s8  }
0x11: {  	[smem:$0x3FB1] =	sst s9;
	s0 =	simm.s32 @!p0 $0x0  }
0x12: {  	s1 =	sld [smem:$0x3F97];
	s0 =	simm.s32 @p0 $0x1  }
0x13: {  	[smem:$0x3FB2] =	sst s0;
	s0 =	simm.s32 @!p1 $0x0  }
0x14: {  	s2 =	sld [smem:$0x3F96];
	s0 =	simm.s32 @p1 $0x1  }
0x15: {  	[smem:$0x3FB3] =	sst s0;
	s0 =	simm.s32 @!p2 $0x0  }
0x16: {  	s3 =	sld [smem:$0x3FDB];
	s0 =	simm.s32 @p2 $0x1  }
0x17: {  	s4 =	simm.s32 $0x1BF5;
	[smem:$0x3FB5] =	sst s0  }
0x18: {  	s0 =	sld [smem:$0x3F98];
	_ =	swait.ge [sflag:s4], $0x0  }
0x19: {  	s7 =	sld [smem:$0x3F99]  }
0x1a: {  	s8 =	sadd.s32 $0xFFFFE003, lr  }
0x1b: {  	s9 =	sadd.s32 $0xFFFFFEF7, lr;
	s5 =	simm.s32 $0xFFFFFFFF;
	p2 =	slt.u32 s8, $0xFFFFF086  }
0x1c: {  	p1 =	slt.u32 s9, $0xF7A;
	s5 =	simm.s32 @!p2 $0x0  }
0x1d: {  	s5 =	simm.s32 @p1 $0x1;
	p0 =	seq.s32 s7, s2  }
0x1e: {  	s7 =	smul.u32 @!p0 $0xF7A, s2;
	p2 =	seq.s32 @!p0 s5, $0x0  }
0x1f: {  	s9 =	smul.u32 $0xF7A, s1;
	s8 =	simm.s32 @!p0 $0x1BF5;
	p2 =	por !p2, p0  }
0x20: {  	[sflag:s8] =	ssyncset.s32 @!p0 $0xFFFFF086;
	s6 =	sadd.s32 @!p0 s3, s7;
	s7 =	simm.s32 @!p0 $0x108  }
0x21: {  	s3 =	sadd.s32 s3, s9;
	s6 =	sadd.s32 @!p0 $0x88, s6;
	s7 =	simm.s32 @p2 $0x1082  }
0x22: {  	[simem:s7], [sflag:s8] =	dma.local @!p0 [hbm:s6], $0xF7A  }
0x23: {  	s9 =	sor.u32 $0xD0000000, s2;
	s6 =	simm.s32 $0x108;
	_ =	swait.ge @!p0 [sflag:s8], $0x0  }
0x24: {  	s3 =	sadd.s32 $0x88, s3;
	s6 =	simm.s32 @!p1 $0x1082;
	[sflag:s4] =	ssyncset.s32 $0xFFFFF086  }
0x25: {  	[simem:s6], [sflag:s4] =	dma.local [hbm:s3], $0xF7A  }
0x26: {  	[smem:$0x3F99] =	sst s1;
	(tag) =	ssettag s2;
	_ =	strace s9  }
0x27: {  	s1 =	sld [smem:$0x3FA9]  }
0x28: {  	s2 =	sld [smem:$0x3FAA]  }
0x29: {  	s4 =	sld [smem:$0x3FAC]  }
0x2a: {  	p0 =	seq.s32 s5, $0x0;
	s5 =	sld [smem:$0x3FAD]  }
0x2b: {  	s6 =	sld [smem:$0x3FAE]  }
0x2c: {  	s7 =	sld [smem:$0x3FAF]  }
0x2d: {  	s3 =	simm.s32 $0x108;
	s8 =	sld [smem:$0x3FB0]  }
0x2e: {  	s3 =	simm.s32 @!p0 $0x1082;
	s9 =	sld [smem:$0x3FB1]  }
0x2f: {  	lr =	sadd.s32 s0, s3;
	s0 =	sld [smem:$0x3FA8]  }
0x30: {  	s3 =	sld [smem:$0x3FAB]  }
0x31: {  	[smem:$0x3FB4] =	sst s10  }
0x32: {  	s10 =	sld [smem:$0x3FB2];
	_ =	sdelay $0x3  }
0x33: {  	p0 =	seq.s32 s10, $0x1;
	s10 =	sld [smem:$0x3FB4];
	_ =	sdelay $0x3  }
0x34: {  	[smem:$0x3FB4] =	sst s10  }
0x35: {  	s10 =	sld [smem:$0x3FB3];
	_ =	sdelay $0x3  }
0x36: {  	p1 =	seq.s32 s10, $0x1;
	s10 =	sld [smem:$0x3FB4];
	_ =	sdelay $0x3  }
0x37: {  	[smem:$0x3FB4] =	sst s10  }
0x38: {  	s10 =	sld [smem:$0x3FB5]  }
0x39: {  	_ = 	snop;
	(pc) =	sbr.ind lr, $3  }
0x3a: {  	_ = 	snop  }
0x3b: {  	_ = 	snop  }
0x3c: {  	p2 =	seq.s32 s10, $0x1;
	s10 =	sld [smem:$0x3FB4]  }
0x3d: {  	_ =	shalt  }
0x3e: {  	_ =	shalt  }
0x3f: {  	_ =	shalt  }
0x40: {  	_ =	shalt  }
0x41: {  	_ =	shalt  }
0x42: {  	_ =	shalt  }
0x43: {  	_ =	shalt  }
0x44: {  	_ =	shalt  }
0x45: {  	_ =	shalt  }
0x46: {  	_ =	shalt  }
0x47: {  	_ =	shalt  }
0x48: {  	_ =	shalt  }
0x49: {  	_ =	shalt  }
0x4a: {  	_ =	shalt  }
0x4b: {  	_ =	shalt  }
0x4c: {  	_ =	shalt  }
0x4d: {  	_ =	shalt  }
0x4e: {  	_ =	shalt  }
0x4f: {  	_ =	shalt  }
0x50: {  	_ =	shalt  }
0x51: {  	_ =	shalt  }
0x52: {  	_ =	shalt  }
0x53: {  	_ =	shalt  }
0x54: {  	_ =	shalt  }
0x55: {  	_ =	shalt  }
0x56: {  	_ =	shalt  }
0x57: {  	_ =	shalt  }
0x58: {  	_ =	shalt  }
0x59: {  	_ =	shalt  }
0x5a: {  	_ =	shalt  }
0x5b: {  	_ =	shalt  }
0x5c: {  	_ =	shalt  }
0x5d: {  	_ =	shalt  }
0x5e: {  	_ =	shalt  }
0x5f: {  	_ =	shalt  }
0x60: {  	_ =	shalt  }
0x61: {  	_ =	shalt  }
0x62: {  	_ =	shalt  }
0x63: {  	_ =	shalt  }
0x64: {  	_ =	shalt  }
0x65: {  	_ =	shalt  }
0x66: {  	_ =	shalt  }
0x67: {  	_ =	shalt  }
0x68: {  	_ =	shalt  }
0x69: {  	_ =	shalt  }
0x6a: {  	_ =	shalt  }
0x6b: {  	_ =	shalt  }
0x6c: {  	_ =	shalt  }
0x6d: {  	_ =	shalt  }
0x6e: {  	_ =	shalt  }
0x6f: {  	_ =	shalt  }
0x70: {  	_ =	shalt  }
0x71: {  	_ =	shalt  }
0x72: {  	_ =	shalt  }
0x73: {  	_ =	shalt  }
0x74: {  	_ =	shalt  }
0x75: {  	_ =	shalt  }
0x76: {  	_ =	shalt  }
0x77: {  	_ =	shalt  }
0x78: {  	_ =	shalt  }
0x79: {  	_ =	shalt  }
0x7a: {  	_ =	shalt  }
0x7b: {  	_ =	shalt  }
0x7c: {  	_ =	shalt  }
0x7d: {  	_ =	shalt  }
0x7e: {  	_ =	shalt  }
0x7f: {  	_ =	shalt  }
0x80: {  	_ =	shalt  }
0x81: {  	_ =	shalt  }
0x82: {  	_ =	shalt  }
0x83: {  	_ =	shalt  }
0x84: {  	_ =	shalt  }
0x85: {  	_ =	shalt  }
0x86: {  	_ =	shalt  }
0x87: {  	_ =	shalt  }
.Lfunc_end0:
.L_simem_size_0:
called_computation_lowered:
.L_overlay_start_0:
0x88: {  	s0 =	sld [smem:$0x3FD9]  }
0x89: {  	s1 =	sld [smem:$0x3FFE];
	_ =	sdelay $0x3  }
0x8a: {  	s0 =	sadd.s32 s1, s0  }
0x8b: {  	[smem:$0x3FC0] =	sst s0  }
0x8c: {  	_ = 	snop  }
0x8d: {  	s0 =	sld [smem:$0x3FD0];
	(tm) =	ssettm $0x1  }
0x8e: {  	s16 =	sld [smem:$0x3FFB];
	_ =	sdelay $0x3  }
0x8f: {  	_ =	strace s16  }
0x90: {  	s1 =	sld [smem:$0x3FFC];
	_ =	sdelay $0x3  }
0x91: {  	_ =	strace s1  }
0x92: {  	s1 =	sld [smem:$0x3FFD];
	_ =	sdelay $0x3  }
0x93: {  	_ =	strace s1  }
0x94: {  	_ =	strace $0x8FFFFFFF  }
0x95: {  	s17 =	sld [smem:$0x3FDB];
	_ =	sdelay $0x1  }
0x96: {  	s2 =	simm.s32 $_scs_section_size  }
0x97: {  	s3 =	simm.s32 $_size__tile_overlayer_lowered;
	s4 =	simm.s32 $_tile_overlayer_lowered  }
0x98: {  	s20 =	simm.s32 $0x1BFF;
	s19 =	sshll.u32 s4, $0x1;
	s1 =	sadd.s32 s2, s17  }
0x99: {  	s5 =	simm.s32 $0x0;
	s18 =	sshll.u32 s3, $0x1;
	s3 =	sadd.s32 s19, s1  }
0x9a: {  	[timem:s5], [sflag:s20] =	dma.local [hbm:s3], s18  }
0x9b: {  	_ =	swait.ge [sflag:s20], s18  }
0x9c: {  	s2 =	ssub.s32 $0x0, s18;
	[sflag:s20] =	ssyncset.done $0x0  }
0x9d: {  	[sflag:s20] =	ssyncadd.s32 s2;
	_ =	sdelay $0x1  }
0x9e: {  	s21 =	simm.s32 $0x1B8B  }
0x9f: {  	_ =	swait.ge [sflag:s21], $0x1  }
0xa0: {  	[sflag:s21] =	ssyncset.done $0x0  }
0xa1: {  	s23 =	simm.s32 $0x1B8E;
	s22 =	sld [smem:$0x3FFE];
	[sflag:s21] =	ssyncadd.s32 $0xFFFFFFFF  }
0xa2: {  	s24 =	simm.s32 $execute0_lowered;
	[smem:$0x3FD2] =	sst s23  }
0xa3: {  	s3 =	sshll.u32 s24, $0x1;
	_ =	strace $0x80000046;
	[dreg:$0x1] =	wrdreg $0xFFFFFFFF  }
0xa4: {  	s25 =	simm.s32 $_size_execute0_lowered;
	s1 =	sadd.s32 s1, s3;
	[dreg:$0x0] =	wrdreg $0x0  }
0xa5: {  	s3 =	sshll.u32 s25, $0x1;
	[dreg:$0x2] =	wrdreg s1  }
0xa6: {  	[dreg:$0x3] =	wrdreg s3  }
0xa7: {  	[dreg:$0x4] =	wrdreg $0xC0  }
0xa8: {  	_ =	task [dreg:s5], $0x5FFFF  }
0xa9: {  	[dreg:$0x1] =	wrdreg $0xFFFFFFFF  }
0xaa: {  	[dreg:$0x0] =	wrdreg $0x60  }
0xab: {  	[dreg:$0x2] =	wrdreg s0  }
0xac: {  	[dreg:$0x3] =	wrdreg s22  }
0xad: {  	[dreg:$0x4] =	wrdreg $0x9  }
0xae: {  	_ =	task.clear_ibuf [dreg:s5], $0x5FFFF;
	_ =	strace $0x90000046  }
0xaf: {  	s26 =	simm.s32 $0x9;
	_ =	strace $0x80000048  }
0xb0: {  	_ =	swait.ge [sflag:s26], $0x1  }
0xb1: {  	[sflag:s26] =	ssyncadd.s32 $0xFFFFFFFF  }
0xb2: {  	_ =	strace $0x90000048  }
0xb3: {  	_ =	sfence  }
0xb4: {  	s28 =	sld [smem:$0x0];
	_ =	sdelay $0x1  }
0xb5: {  	s29 =	srdreg.scid  }
0xb6: {  	s30 =	sshll.u32 s29, $0xD;
	s31 =	sshrl.u32 s29, $0x2  }
0xb7: {  	s2 =	sand.u32 $0x4000, s30;
	s1 =	sand.u32 $0x1, s29;
	s0 =	sadd.s32 s31, s28  }
0xb8: {  	s1 =	sor.u32 s2, s1;
	s0 =	sshll.u32 s0, $0x11  }
0xb9: {  	s0 =	sor.u32 s0, s1  }
0xba: {  	s0 =	sadd.s32 $0x8F2B, s0  }
0xbb: {  	[sflag:s0] =	ssyncadd.remote.s32 $0x1  }
0xbc: {  	_ =	sfence.sel $0xFFFF  }
0xbd: {  	[dreg:$0x0] =	wrdreg $0xFFFFFFFF;
	(pc) =	sbr.abs _section_cstart, $3  }
0xbe: {  	[dreg:$0x1] =	wrdreg $0xFFFFFFFF  }
0xbf: {  	_ =	task.clear_ibuf [dreg:s5], $0x2FFFF;
	_ =	strace $0x9FFFFFFF  }
0xc0: {  	(tm) =	ssettm $0x7FFFFFFF  }
0xc1: {  	_ =	shalt  }
tec
execute0_lowered:
.L_overlay_start_1:
0x0: {  	(tag) =	ssettag $0x1  }
0x1: {  	s1 =	rddreg [dreg:$0x0]  }
0x2: {  	s2 =	rddreg [dreg:$0x1];
	s3 =	simm.s32 $0x0  }
0x3: {  	[smem:$0x7FF] =	sst s3  }
0x4: {  	s0 =	rddreg [dreg:$0x2];
	_ =	strace $0x80000047  }
0x5: {  	[tilespmem:s3], [sflag:$0x1] =	stream.linear.gather [hbm4b:s1+s3], $0x50C0, $0x38;
	[tilespmem:$0xBB80] =	vst v63  }
0x6: {  	v0 =	vimm.f32 $0.0e+00;
	s3 =	simm.s32 $0x5140  }
0x7: {  	[tilespmem:s3+$0xFFFFFFC0] =	vst v0  }
0x8: {  	[tilespmem:s3+$0x30] =	vst v0  }
0x9: {  	[tilespmem:s3+$0x20] =	vst v0  }
0xa: {  	[tilespmem:s3+$0x10] =	vst v0  }
0xb: {  	[tilespmem:s3+$0x0] =	vst v0  }
0xc: {  	[tilespmem:s3+$0xFFFFFFF0] =	vst v0  }
0xd: {  	s4 =	simm.s32 $0x0;
	s2 =	sadd.s32 $0x1000, s2;
	s1 =	stileid.u32;
	[tilespmem:s3+$0xFFFFFFE0] =	vst v0  }
.LBB2_1:
0xe: {  	s4 =	sadd.s32 $0x8, s4;
	[tilespmem:s3+$0xFFFFFFD0] =	vst v0;
	s3 =	sadd.s32 $0x80, s3  }
0xf: {  	[tilespmem:s3+$0xFFFFFFC0] =	vst v0;
	p0 =	slt.u32 s4, $0x6A0  }
0x10: {  	[tilespmem:s3+$0x30] =	vst v0  }
.Ltmp0:
0x11: {  	[tilespmem:s3+$0x20] =	vst v0;
	(pc) =	sbr.rel @p0 .LBB2_1-.Ltmp0, $4  }
0x12: {  	[tilespmem:s3+$0x10] =	vst v0  }
0x13: {  	[tilespmem:s3+$0x0] =	vst v0  }
0x14: {  	[tilespmem:s3+$0xFFFFFFF0] =	vst v0  }
0x15: {  	[tilespmem:s3+$0xFFFFFFE0] =	vst v0  }
0x16: {  	[tilespmem:s3+$0xFFFFFFD0] =	vst v0;
	s31 =	simm.s32 $0x1  }
0x17: {  	_ =	swait.ge [sflag:s31], $0x50C0  }
0x18: {  	[sflag:s31] =	ssyncset.done $0x0  }
0x19: {  	v0 =	vimm.s32 $0x7FFFFFFF;
	[sflag:s31] =	ssyncadd.s32 $0xFFFFAF40  }
0x1a: {  	[tilespmem:$0x50C0] =	vst v0  }
0x1b: {  	[tilespmem:$0x50D0] =	vst v0  }
0x1c: {  	[tilespmem:$0x50E0] =	vst v0  }
0x1d: {  	s4 =	simm.s32 $0x40;
	[tilespmem:$0x50F0] =	vst v0  }
0x1e: {  	v1 =	vld [tilespmem:s4+$0x30]  }
0x1f: {  	v2 =	vld [tilespmem:s4+$0xFFFFFFD0]  }
0x20: {  	s3 =	smul.u32 $0x6A50, s1;
	v3 =	vld [tilespmem:s4+$0xFFFFFFE0]  }
0x21: {  	v4 =	vld [tilespmem:s4+$0xFFFFFFF0]  }
0x22: {  	v0 =	vmov s3  }
0x23: {  	v5 =	vsub.s32 v1, v0  }
0x24: {  	v6 =	vld [tilespmem:s4+$0x0];
	v7 =	vsub.s32 v2, v0;
	vm0 =	vlt.u32 v5, $0x6A50  }
0x25: {  	v8 =	vld [tilespmem:s4+$0x10];
	v9 =	vsub.s32 v3, v0;
	vm1 =	vlt.u32 v7, $0x6A50  }
0x26: {  	v10 =	vld [tilespmem:s4+$0x20];
	v11 =	vsub.s32 v4, v0;
	vm2 =	vlt.u32 v9, $0x6A50  }
0x27: {  	v12 =	vld [tilespmem:s4+$0xFFFFFFC0];
	vm4 =	vlt.u32 v11, $0x6A50;
	_ =	sdelay $0x1  }
0x28: {  	s4 =	simm.s32 $0x5100;
	v1 =	vimm.f32 $1.000000000e+00  }
0x29: {  	[tilespmem:v5+s4+$0x0] =	vst.idx.add.f32.msk vm0, v1  }
0x2a: {  	v2 =	vsub.s32 v6, v0;
	v3 =	vsub.s32 v8, v0;
	[tilespmem:v7+s4+$0x0] =	vst.idx.add.f32.msk vm1, v1  }
0x2b: {  	v4 =	vsub.s32 v10, v0;
	vm0 =	vlt.u32 v2, $0x6A50;
	v5 =	vsub.s32 v12, v0;
	[tilespmem:v9+s4+$0x0] =	vst.idx.add.f32.msk vm2, v1  }
0x2c: {  	s5 =	simm.s32 $0x0;
	s6 =	simm.s32 $0xC0;
	vm1 =	vlt.u32 v3, $0x6A50;
	vm2 =	vlt.u32 v4, $0x6A50;
	[tilespmem:v11+s4+$0x0] =	vst.idx.add.f32.msk vm4, v1;
	vm3 =	vlt.u32 v5, $0x6A50  }
.LBB2_3:
0x2d: {  	v6 =	vld [tilespmem:s6+$0x30];
	s5 =	sadd.s32 $0x8, s5  }
0x2e: {  	v7 =	vld [tilespmem:s6+$0xFFFFFFD0];
	p0 =	slt.u32 s5, $0x508  }
0x2f: {  	v8 =	vld [tilespmem:s6+$0xFFFFFFE0]  }
0x30: {  	v9 =	vld [tilespmem:s6+$0xFFFFFFF0]  }
0x31: {  	v10 =	vld [tilespmem:s6+$0x0]  }
0x32: {  	v11 =	vld [tilespmem:s6+$0x10];
	v6 =	vsub.s32 v6, v0  }
0x33: {  	v7 =	vsub.s32 v7, v0;
	v12 =	vld [tilespmem:s6+$0x20];
	vm4 =	vlt.u32 v6, $0x6A50  }
0x34: {  	v13 =	vld [tilespmem:s6+$0xFFFFFFC0];
	vm5 =	vlt.u32 v7, $0x6A50;
	v8 =	vsub.s32 v8, v0  }
0x35: {  	vm6 =	vlt.u32 v8, $0x6A50;
	v9 =	vsub.s32 v9, v0;
	[tilespmem:v5+s4+$0x0] =	vst.idx.add.f32.msk vm3, v1  }
0x36: {  	vm7 =	vlt.u32 v9, $0x6A50;
	[tilespmem:v2+s4+$0x0] =	vst.idx.add.f32.msk vm0, v1;
	v2 =	vsub.s32 v10, v0  }
0x37: {  	vm0 =	vlt.u32 v2, $0x6A50;
	[tilespmem:v3+s4+$0x0] =	vst.idx.add.f32.msk vm1, v1;
	v3 =	vsub.s32 v11, v0  }
.Ltmp1:
0x38: {  	vm1 =	vlt.u32 v3, $0x6A50;
	[tilespmem:v4+s4+$0x0] =	vst.idx.add.f32.msk vm2, v1;
	v4 =	vsub.s32 v12, v0;
	(pc) =	sbr.rel @p0 .LBB2_3-.Ltmp1, $4  }
0x39: {  	v5 =	vsub.s32 v13, v0;
	vm2 =	vlt.u32 v4, $0x6A50;
	[tilespmem:v6+s4+$0x0] =	vst.idx.add.f32.msk vm4, v1  }
0x3a: {  	vm3 =	vlt.u32 v5, $0x6A50;
	[tilespmem:v7+s4+$0x0] =	vst.idx.add.f32.msk vm5, v1  }
0x3b: {  	[tilespmem:v8+s4+$0x0] =	vst.idx.add.f32.msk vm6, v1  }
0x3c: {  	s6 =	sadd.s32 $0x80, s6;
	[tilespmem:v9+s4+$0x0] =	vst.idx.add.f32.msk vm7, v1  }
0x3d: {  	_ =	sdelay $0x4  }
0x3e: {  	[tilespmem:v5+s4+$0x0] =	vst.idx.add.f32.msk vm3, v1  }
0x3f: {  	[tilespmem:v2+s4+$0x0] =	vst.idx.add.f32.msk vm0, v1  }
0x40: {  	[tilespmem:v3+s4+$0x0] =	vst.idx.add.f32.msk vm1, v1;
	s3 =	sshrl.u32 s3, $0x3;
	s29 =	simm.s32 $0x0  }
0x41: {  	[tilespmem:v4+s4+$0x0] =	vst.idx.add.f32.msk vm2, v1;
	s30 =	simm.s32 $0x5100;
	s31 =	simm.s32 $0x2;
	s2 =	sadd.s32 s2, s3  }
0x42: {  	[hbm4b:s2+s29] =	stream.linear.scatter [tilespmem:s30], [sflag:$0x2], $0x6A50, $0x38;
	[tilespmem:$0xBB80] =	vst v63  }
0x43: {  	_ =	swait.ge [sflag:s31], $0x6A50  }
0x44: {  	[sflag:s31] =	ssyncset.done $0x0  }
0x45: {  	[sflag:s31] =	ssyncadd.s32 $0xFFFF95B0  }
0x46: {  	_ =	sfence.sel $0x180000  }
0x47: {  	[bflag:$0x0] =	sbarrier.arrive $0xFFFF  }
0x48: {  	p0 =	sne.s32 s1, $0x0;
	_ =	strace $0x90000047  }
0x49: {  	s0 =	sadd.s32 @!p0 $0x100000, s0;
	[bflag:$0x2] =	sbarrier.arrive $0xFFFF  }
0x4a: {  	[sflag:s0] =	ssyncadd.tile.s32 @!p0 $0x1;
	_ =	shalt  }
.Lfunc_end2:
_tile_overlayer_lowered:
.L_overlay_start_2:
0x4b: {  	(tag) =	ssettag $0x2  }
0x4c: {  	s0 =	rddreg [dreg:$0x0];
	s2 =	stileid.u32  }
0x4d: {  	s1 =	rddreg [dreg:$0x1];
	p0 =	sne.s32 s2, $0x0  }
0x4e: {  	s3 =	rddreg [dreg:$0x2];
	[bflag:$0x3] =	sbarrier.arrive $0xFFFF;
	s2 =	simm.s32 @!p0 $0x1C02  }
0x4f: {  	[timem:s3], [sflag:s2] =	dma.local @!p0 [hbm:s0], s1  }
0x50: {  	s0 =	simm.s32 @!p0 $0x2  }
0x51: {  	_ =	swait.ge @!p0 [sflag:s0], s1  }
0x52: {  	s1 =	ssub.s32 @!p0 $0x0, s1;
	[sflag:s0] =	ssyncset.done @!p0 $0x0  }
0x53: {  	[sflag:s0] =	ssyncadd.s32 @!p0 s1  }
0x54: {  	[bflag:$0x3] =	sbarrier.arrive $0xFFFF  }
0x55: {  	_ =	shalt  }

</sc_bundles>
